<compile_context>
chip_gen: v7x
topology: tpu7x:2x2x1
jax: 0.10.2.dev20260603
libtpu: 0.0.44.dev20260713+nightly
codegen_flags: <defaults>
</compile_context>

<pallas_src>
import jax
import jax.numpy as jnp
from jax import lax
from jax.experimental import pallas as pl
from jax.experimental.pallas import tpu as pltpu
from jax.experimental.pallas import tpu_sc as plsc

_BB = 16
_TPAD = 1024
_RPW = 8


def _sc_gather_body(times_hbm, values_hbm, t_hbm, out_hbm, tvm, tv, rows_v, col_v):
    cid = lax.axis_index("c")
    sid = lax.axis_index("s")
    wid = sid * 2 + cid
    B, K = values_hbm.shape

    @pl.when(wid < B // _RPW)
    def _():
        base = wid * _RPW
        pltpu.sync_copy(times_hbm, tvm)
        pltpu.sync_copy(t_hbm, tv)
        pltpu.sync_copy(values_hbm.at[pl.ds(base, _RPW), :], rows_v)
        tvec = tv[...]

        def body(i, cnt):
            chunk = tvm[pl.ds(i * 16, 16)]
            return cnt + jnp.where(chunk <= tvec, 1, 0)

        cnt_vec = lax.fori_loop(0, _TPAD // 16, body,
                                jnp.zeros((16,), jnp.int32))
        count = jnp.sum(cnt_vec)
        idx = jnp.clip(count - 1, 0, K - 1)
        ridx = jnp.bitwise_and(lax.iota(jnp.int32, 16), _RPW - 1)
        cidx = jnp.full((16,), idx, jnp.int32)
        col_v[...] = plsc.load_gather(rows_v, [ridx, cidx])
        pltpu.sync_copy(col_v.at[pl.ds(0, _RPW)], out_hbm.at[pl.ds(base, _RPW)])


def _tc_scale_body(times_ref, vals_ref, t_ref, arr_ref, out_ref):
    tt = t_ref[0, 0]
    Kp1 = times_ref.shape[-1]
    flag = jnp.where(
        jnp.logical_and(times_ref[0, 0] <= tt, tt < times_ref[0, Kp1 - 1]),
        jnp.float32(1.0), jnp.float32(0.0),
    )
    vals = vals_ref[...] * flag
    out_ref[...] = vals[:, :, None] * arr_ref[...][None]


@jax.jit
def kernel(times, values, array, t):
    B, K = values.shape
    N = array.shape[0]

    times_pad = jnp.pad(times, (0, _TPAD - (K + 1)), constant_values=jnp.inf)
    t_vec = jnp.full((16,), t, jnp.float32)

    mesh = plsc.VectorSubcoreMesh(core_axis_name="c", subcore_axis_name="s")
    envelope = pl.kernel(
        _sc_gather_body,
        out_type=jax.ShapeDtypeStruct((B,), jnp.float32),
        mesh=mesh,
        compiler_params=pltpu.CompilerParams(needs_layout_passes=False),
        scratch_types=[
            pltpu.VMEM((_TPAD,), jnp.float32),
            pltpu.VMEM((16,), jnp.float32),
            pltpu.VMEM((_RPW, K), jnp.float32),
            pltpu.VMEM((16,), jnp.float32),
        ],
    )(times_pad, values, t_vec)

    return pl.pallas_call(
        _tc_scale_body,
        grid=(B // _BB,),
        in_specs=[
            pl.BlockSpec((1, K + 1), lambda b: (0, 0)),
            pl.BlockSpec((_BB, 1), lambda b: (b, 0)),
            pl.BlockSpec((1, 1), lambda b: (0, 0)),
            pl.BlockSpec((N, N), lambda b: (0, 0)),
        ],
        out_specs=pl.BlockSpec((_BB, N, N), lambda b: (b, 0, 0)),
        out_shape=jax.ShapeDtypeStruct((B, N, N), jnp.float32),
        compiler_params=pltpu.CompilerParams(
            dimension_semantics=(pltpu.GridDimensionSemantics.PARALLEL,)
        ),
    )(times.reshape(1, K + 1), envelope.reshape(B, 1), t.reshape(1, 1), array)

# --- scband reference (transcript-rebuilt; emitter-appended) ---
"""Pipeline reference for scband-pwctime-array-41257455845772 (READ-ONLY COPY).

The authoritative reference and input builder live on the scoring server;
editing this copy changes nothing except your own understanding.
"""

import jax, jax.numpy as jnp
import numpy as np
from jax import lax


def setup_inputs(seed: int = 0) -> dict:
    key = jax.random.key(seed)
    k1, k2, k3 = jax.random.split(key, 3)
    K = 1000   # number of piecewise-constant intervals
    B = 64     # batch of drive envelopes
    N = 256    # operator dimension
    times = jnp.linspace(0.0, 1000.0, K + 1).astype(jnp.float32)  # sorted breakpoints
    values = jax.random.normal(k1, (B, K), dtype=jnp.float32)
    array = jax.random.normal(k2, (N, N), dtype=jnp.float32)
    t = jax.random.uniform(k3, (), dtype=jnp.float32, minval=0.0, maxval=1000.0)
    return {"times": times, "values": values, "array": array, "t": t}


def reference(times, values, array, t):
    # Faithful translation of PWCTimeArray.__call__(t)
    def _zero(_):
        return jnp.zeros_like(values[..., 0])

    def _pwc(tt):
        idx = jnp.searchsorted(times, tt, side='right') - 1
        return values[..., idx]

    value = lax.cond(
        jnp.logical_or(t < times[0], t >= times[-1]), _zero, _pwc, t
    )
    # original source has `value.reshape(*value, 1, 1)` which is a typo for
    # `value.reshape(*value.shape, 1, 1)` (the only semantics that type-checks)
    return value.reshape(*value.shape, 1, 1) * array

if __name__ == "__main__":
    import jax
    _d = setup_inputs()
    print(jax.jit(kernel)(*tuple(_d.values())))

</pallas_src>

<mosaic_0001>
#map = affine_map<(d0, d1) -> (0)>
#map1 = affine_map<(d0, d1) -> (0, 0)>
module attributes {stable_mosaic.version = 14 : i64} {
  func.func @_sc_gather_body(%arg0: i32, %arg1: i32, %arg2: memref<1024xf32, #tpu.memory_space<hbm>>, %arg3: memref<64x1000xf32, #tpu.memory_space<hbm>>, %arg4: memref<16xf32, #tpu.memory_space<hbm>>, %arg5: memref<64xf32, #tpu.memory_space<hbm>>, %arg6: memref<1024xf32, #tpu.memory_space<vmem>>, %arg7: memref<16xf32, #tpu.memory_space<vmem>>, %arg8: memref<8x1000xf32, #tpu.memory_space<vmem>>, %arg9: memref<16xf32, #tpu.memory_space<vmem>>) attributes {dimension_semantics = [#tpu.dimension_semantics<core_parallel>, #tpu.dimension_semantics<subcore_parallel>], iteration_bounds = array<i64: 2, 16>, scalar_prefetch = 0 : i64, scratch_operands = 4 : i64, tpu.core_type = #tpu.core_type<sc_vector_subcore>, window_params = [{transform_indices = #map}, {transform_indices = #map1}, {transform_indices = #map}, {transform_indices = #map}]} {
    %mul3A = arith.constant 2 : i32
    %mul3A_0 = arith.muli %arg1, %mul3A : i32
    %add3A = arith.addi %mul3A_0, %arg0 : i32
    %lt3A = arith.constant 8 : i32
    %lt3A_1 = arith.cmpi slt, %add3A, %lt3A : i32
    %convert_element_type3A = arith.extui %lt3A_1 : i1 to i32
    %cond3A = arith.constant 0 : i32
    %cond3A_2 = arith.cmpi ne, %convert_element_type3A, %cond3A : i32
    scf.if %cond3A_2 {
      %mul3A_3 = arith.constant 8 : i32
      %mul3A_4 = arith.muli %add3A, %mul3A_3 : i32
      "tpu.region"() ({
        %run_scoped3A = tpu.sem_alloc : memref<!tpu.dma_semaphore, #tpu.memory_space<semaphore_mem>>
        tpu.enqueue_dma source(%arg2 : memref<1024xf32, #tpu.memory_space<hbm>>) target(%arg6 : memref<1024xf32, #tpu.memory_space<vmem>>) target_semaphore(%run_scoped3A : memref<!tpu.dma_semaphore, #tpu.memory_space<semaphore_mem>>)
        tpu.wait_dma2 semaphore(%run_scoped3A : memref<!tpu.dma_semaphore, #tpu.memory_space<semaphore_mem>>) src(%arg2 : memref<1024xf32, #tpu.memory_space<hbm>>) dst(%arg6 : memref<1024xf32, #tpu.memory_space<vmem>>)
        tpu.yield
      }) : () -> ()
      "tpu.region"() ({
        %run_scoped3A = tpu.sem_alloc : memref<!tpu.dma_semaphore, #tpu.memory_space<semaphore_mem>>
        tpu.enqueue_dma source(%arg4 : memref<16xf32, #tpu.memory_space<hbm>>) target(%arg7 : memref<16xf32, #tpu.memory_space<vmem>>) target_semaphore(%run_scoped3A : memref<!tpu.dma_semaphore, #tpu.memory_space<semaphore_mem>>)
        tpu.wait_dma2 semaphore(%run_scoped3A : memref<!tpu.dma_semaphore, #tpu.memory_space<semaphore_mem>>) src(%arg4 : memref<16xf32, #tpu.memory_space<hbm>>) dst(%arg7 : memref<16xf32, #tpu.memory_space<vmem>>)
        tpu.yield
      }) : () -> ()
      "tpu.region"() ({
        %run_scoped3A = tpu.sem_alloc : memref<!tpu.dma_semaphore, #tpu.memory_space<semaphore_mem>>
        %dma_start3A = arith.constant 0 : i32
        %dma_start3A_21 = tpu.memref_slice %arg3[%mul3A_4, %dma_start3A] : memref<64x1000xf32, #tpu.memory_space<hbm>> -> memref<8x1000xf32, #tpu.memory_space<hbm>>
        %dma_start3A_22 = arith.constant 0 : i32
        %dma_start3A_23 = tpu.memref_slice %arg3[%mul3A_4, %dma_start3A_22] : memref<64x1000xf32, #tpu.memory_space<hbm>> -> memref<8x1000xf32, #tpu.memory_space<hbm>>
        tpu.enqueue_dma source(%dma_start3A_23 : memref<8x1000xf32, #tpu.memory_space<hbm>>) target(%arg8 : memref<8x1000xf32, #tpu.memory_space<vmem>>) target_semaphore(%run_scoped3A : memref<!tpu.dma_semaphore, #tpu.memory_space<semaphore_mem>>)
        %dma_wait3A = arith.constant 0 : i32
        %dma_wait3A_24 = tpu.memref_slice %arg3[%mul3A_4, %dma_wait3A] : memref<64x1000xf32, #tpu.memory_space<hbm>> -> memref<8x1000xf32, #tpu.memory_space<hbm>>
        %dma_wait3A_25 = arith.constant 0 : i32
        %dma_wait3A_26 = tpu.memref_slice %arg3[%mul3A_4, %dma_wait3A_25] : memref<64x1000xf32, #tpu.memory_space<hbm>> -> memref<8x1000xf32, #tpu.memory_space<hbm>>
        tpu.wait_dma2 semaphore(%run_scoped3A : memref<!tpu.dma_semaphore, #tpu.memory_space<semaphore_mem>>) src(%dma_wait3A_26 : memref<8x1000xf32, #tpu.memory_space<hbm>>) dst(%arg8 : memref<8x1000xf32, #tpu.memory_space<vmem>>)
        tpu.yield
      }) : () -> ()
      %get3A = arith.constant 0 : index
      %get3A_5 = tpu.vector_load %arg7[%get3A] {strides = array<i32>} : memref<16xf32, #tpu.memory_space<vmem>>, vector<16xf32>,
      %broadcast_in_dim3A = arith.constant 0 : i32
      %broadcast_in_dim3A_6 = vector.broadcast %broadcast_in_dim3A : i32 to vector<16xi32>
      %scan3A = arith.constant 0 : i32
      %scan3A_7 = arith.constant 64 : i32
      %scan3A_8 = arith.addi %scan3A, %scan3A_7 : i32
      %scan3A_9 = arith.constant 1 : i32
      %scan3A_10 = scf.for %scan3A_21 = %scan3A to %scan3A_8 step %scan3A_9 iter_args(%scan3A_22 = %broadcast_in_dim3A_6) -> (vector<16xi32>)  : i32 {
        %mul3A_23 = arith.constant 16 : i32
        %mul3A_24 = arith.muli %scan3A_21, %mul3A_23 : i32
        %get3A_25 = arith.index_cast %mul3A_24 : i32 to index
        %get3A_26 = tpu.vector_load %arg6[%get3A_25] {strides = array<i32>} : memref<1024xf32, #tpu.memory_space<vmem>>, vector<16xf32>,
        %le3A = arith.cmpf ole, %get3A_26, %get3A_5 : vector<16xf32>
        %jit3A_27 = arith.constant 1 : i32
        %jit3A_28 = arith.constant 0 : i32
        %broadcast_in_dim3A_29 = vector.broadcast %jit3A_27 : i32 to vector<16xi32>
        %broadcast_in_dim3A_30 = vector.broadcast %jit3A_28 : i32 to vector<16xi32>
        %select_n3A = arith.select %le3A, %broadcast_in_dim3A_29, %broadcast_in_dim3A_30 : vector<16xi1>, vector<16xi32>
        %add3A_31 = arith.addi %scan3A_22, %select_n3A : vector<16xi32>
        scf.yield %add3A_31 : vector<16xi32>
      }
      %scan3A_11 = arith.constant 64 : i32
      %reduce_sum3A = arith.constant true
      %reduce_sum3A_12 = vector.broadcast %reduce_sum3A : i1 to vector<16xi1>
      %reduce_sum3A_13 = tpu.scan <sum>, %scan3A_10 masked %reduce_sum3A_12 : vector<16xi32>, vector<16xi1> -> vector<16xi32>
      %reduce_sum3A_14 = vector.extract %reduce_sum3A_13[15] : i32 from vector<16xi32>
      %sub3A = arith.constant 1 : i32
      %sub3A_15 = arith.subi %reduce_sum3A_14, %sub3A : i32
      %jit3A = arith.constant 0 : i32
      %jit3A_16 = arith.constant 999 : i32
      %max3A = arith.maxsi %jit3A, %sub3A_15 : i32
      %min3A = arith.minsi %jit3A_16, %max3A : i32
      %iota3A = tpu.iota {dimensions = array<i32: 0>} : vector<16xi32>
      %and3A = arith.constant 7 : i32
      %and3A_17 = vector.broadcast %and3A : i32 to vector<16xi32>
      %and3A_18 = arith.andi %iota3A, %and3A_17 : vector<16xi32>
      %broadcast_in_dim3A_19 = vector.broadcast %min3A : i32 to vector<16xi32>
      %gather3A = tpu.vector_load_idx %arg8[%and3A_18, %broadcast_in_dim3A_19] : memref<8x1000xf32, #tpu.memory_space<vmem>>[vector<16xi32>, vector<16xi32>], vector<16xf32>,
      %swap3A = arith.constant 0 : index
      %swap3A_20 = tpu.vector_load %arg9[%swap3A] {strides = array<i32>} : memref<16xf32, #tpu.memory_space<vmem>>, vector<16xf32>,
      tpu.vector_store %arg9[%swap3A], %gather3A {strides = array<i32>} : memref<16xf32, #tpu.memory_space<vmem>>, vector<16xf32>,
      "tpu.region"() ({
        %run_scoped3A = tpu.sem_alloc : memref<!tpu.dma_semaphore, #tpu.memory_space<semaphore_mem>>
        %dma_start3A = arith.constant 0 : i32
        %dma_start3A_21 = tpu.memref_slice %arg9[%dma_start3A] : memref<16xf32, #tpu.memory_space<vmem>> -> memref<8xf32, #tpu.memory_space<vmem>>
        %dma_start3A_22 = tpu.memref_slice %arg5[%mul3A_4] : memref<64xf32, #tpu.memory_space<hbm>> -> memref<8xf32, #tpu.memory_space<hbm>>
        %dma_start3A_23 = tpu.memref_slice %arg5[%mul3A_4] : memref<64xf32, #tpu.memory_space<hbm>> -> memref<8xf32, #tpu.memory_space<hbm>>
        %dma_start3A_24 = arith.constant 0 : i32
        %dma_start3A_25 = tpu.memref_slice %arg9[%dma_start3A_24] : memref<16xf32, #tpu.memory_space<vmem>> -> memref<8xf32, #tpu.memory_space<vmem>>
        tpu.enqueue_dma source(%dma_start3A_25 : memref<8xf32, #tpu.memory_space<vmem>>) target(%dma_start3A_23 : memref<8xf32, #tpu.memory_space<hbm>>) target_semaphore(%run_scoped3A : memref<!tpu.dma_semaphore, #tpu.memory_space<semaphore_mem>>)
        %dma_wait3A = arith.constant 0 : i32
        %dma_wait3A_26 = tpu.memref_slice %arg9[%dma_wait3A] : memref<16xf32, #tpu.memory_space<vmem>> -> memref<8xf32, #tpu.memory_space<vmem>>
        %dma_wait3A_27 = tpu.memref_slice %arg5[%mul3A_4] : memref<64xf32, #tpu.memory_space<hbm>> -> memref<8xf32, #tpu.memory_space<hbm>>
        %dma_wait3A_28 = tpu.memref_slice %arg5[%mul3A_4] : memref<64xf32, #tpu.memory_space<hbm>> -> memref<8xf32, #tpu.memory_space<hbm>>
        %dma_wait3A_29 = arith.constant 0 : i32
        %dma_wait3A_30 = tpu.memref_slice %arg9[%dma_wait3A_29] : memref<16xf32, #tpu.memory_space<vmem>> -> memref<8xf32, #tpu.memory_space<vmem>>
        tpu.wait_dma2 semaphore(%run_scoped3A : memref<!tpu.dma_semaphore, #tpu.memory_space<semaphore_mem>>) src(%dma_wait3A_30 : memref<8xf32, #tpu.memory_space<vmem>>) dst(%dma_wait3A_28 : memref<8xf32, #tpu.memory_space<hbm>>)
        tpu.yield
      }) : () -> ()
    } else {
    }
    return
  }
}

module attributes {stable_mosaic.version = 14 : i64} {
  func.func @_tc_scale_body(%arg0: i32, %arg1: memref<1x1001xf32, #tpu.memory_space<vmem>>, %arg2: memref<16x1xf32, #tpu.memory_space<vmem>>, %arg3: memref<1x1xf32, #tpu.memory_space<vmem>>, %arg4: memref<256x256xf32, #tpu.memory_space<vmem>>, %arg5: memref<16x256x256xf32, #tpu.memory_space<vmem>>) attributes {dimension_semantics = [#tpu.dimension_semantics<parallel>], iteration_bounds = array<i64: 4>, scalar_prefetch = 0 : i64, scratch_operands = 0 : i64, tpu.core_type = #tpu.core_type<tc>, window_params = [{pipeline_mode = #tpu.pipeline_mode<synchronous>, transform_indices = @transform_0, window_bounds = array<i64: 1, 1001>}, {transform_indices = @transform_1, window_bounds = array<i64: 16, 1>}, {pipeline_mode = #tpu.pipeline_mode<synchronous>, transform_indices = @transform_2, window_bounds = array<i64: 1, 1>}, {pipeline_mode = #tpu.pipeline_mode<synchronous>, transform_indices = @transform_3, window_bounds = array<i64: 256, 256>}, {transform_indices = @transform_4, window_bounds = array<i64: 16, 256, 256>}]} {
    %get3A = arith.constant 0 : index
    %get3A_0 = arith.constant 0 : index
    %get3A_1 = vector.load %arg3[%get3A, %get3A_0] : memref<1x1xf32, #tpu.memory_space<vmem>>, vector<1x1xf32>
    %get3A_2 = vector.extract %get3A_1[0, 0] : f32 from vector<1x1xf32>
    %get3A_3 = arith.constant 0 : index
    %get3A_4 = arith.constant 0 : index
    %get3A_5 = vector.load %arg1[%get3A_3, %get3A_4] : memref<1x1001xf32, #tpu.memory_space<vmem>>, vector<1x1xf32>
    %get3A_6 = vector.extract %get3A_5[0, 0] : f32 from vector<1x1xf32>
    %le3A = arith.cmpf ole, %get3A_6, %get3A_2 : f32
    %get3A_7 = arith.constant 0 : index
    %get3A_8 = arith.constant 1000 : index
    %get3A_9 = vector.load %arg1[%get3A_7, %get3A_8] : memref<1x1001xf32, #tpu.memory_space<vmem>>, vector<1x1xf32>
    %get3A_10 = vector.extract %get3A_9[0, 0] : f32 from vector<1x1xf32>
    %lt3A = arith.cmpf olt, %get3A_2, %get3A_10 : f32
    %and3A = arith.andi %le3A, %lt3A : i1
    %jit3A = arith.constant 1.000000e+00 : f32
    %jit3A_11 = arith.constant 0.000000e+00 : f32
    %select_n3A = arith.select %and3A, %jit3A, %jit3A_11 : f32
    %get3A_12 = arith.constant 0 : index
    %get3A_13 = arith.constant 0 : index
    %get3A_14 = vector.load %arg2[%get3A_12, %get3A_13] : memref<16x1xf32, #tpu.memory_space<vmem>>, vector<16x1xf32>
    %mul3A = vector.broadcast %select_n3A : f32 to vector<16x1xf32>
    %mul3A_15 = arith.mulf %get3A_14, %mul3A : vector<16x1xf32>
    %broadcast_in_dim3A = vector.shape_cast %mul3A_15 : vector<16x1xf32> to vector<16x1x1xf32>
    %get3A_16 = arith.constant 0 : index
    %get3A_17 = arith.constant 0 : index
    %get3A_18 = vector.load %arg4[%get3A_16, %get3A_17] : memref<256x256xf32, #tpu.memory_space<vmem>>, vector<256x256xf32>
    %broadcast_in_dim3A_19 = vector.shape_cast %get3A_18 : vector<256x256xf32> to vector<1x256x256xf32>
    %mul3A_20 = vector.broadcast %broadcast_in_dim3A : vector<16x1x1xf32> to vector<16x256x256xf32>
    %mul3A_21 = vector.broadcast %broadcast_in_dim3A_19 : vector<1x256x256xf32> to vector<16x256x256xf32>
    %mul3A_22 = arith.mulf %mul3A_20, %mul3A_21 : vector<16x256x256xf32>
    %swap3A = arith.constant 0 : index
    %swap3A_23 = arith.constant 0 : index
    %swap3A_24 = arith.constant 0 : index
    %swap3A_25 = vector.load %arg5[%swap3A, %swap3A_23, %swap3A_24] : memref<16x256x256xf32, #tpu.memory_space<vmem>>, vector<16x256x256xf32>
    tpu.vector_store %arg5[%swap3A, %swap3A_23, %swap3A_24], %mul3A_22 {strides = array<i32>} : memref<16x256x256xf32, #tpu.memory_space<vmem>>, vector<16x256x256xf32>,
    return
  }
  func.func @transform_0(%arg0: i32) -> (i32, i32) {
    %c0_i32 = arith.constant 0 : i32
    %c0_i32_0 = arith.constant 0 : i32
    %c0_i32_1 = arith.constant 0 : i32
    return %c0_i32, %c0_i32_0 : i32, i32
  }
  func.func @transform_1(%arg0: i32) -> (i32, i32) {
    %c0_i32 = arith.constant 0 : i32
    %c0_i32_0 = arith.constant 0 : i32
    return %arg0, %c0_i32 : i32, i32
  }
  func.func @transform_2(%arg0: i32) -> (i32, i32) {
    %c0_i32 = arith.constant 0 : i32
    %c0_i32_0 = arith.constant 0 : i32
    %c0_i32_1 = arith.constant 0 : i32
    return %c0_i32, %c0_i32_0 : i32, i32
  }
  func.func @transform_3(%arg0: i32) -> (i32, i32) {
    %c0_i32 = arith.constant 0 : i32
    %c0_i32_0 = arith.constant 0 : i32
    %c0_i32_1 = arith.constant 0 : i32
    return %c0_i32, %c0_i32_0 : i32, i32
  }
  func.func @transform_4(%arg0: i32) -> (i32, i32, i32) {
    %c0_i32 = arith.constant 0 : i32
    %c0_i32_0 = arith.constant 0 : i32
    %c0_i32_1 = arith.constant 0 : i32
    return %arg0, %c0_i32, %c0_i32_0 : i32, i32, i32
  }
}

</mosaic_0001>

<sc_bundles>
// kernel: kernel.4.cloned.1.call-start
scs
__scs_entry_jumppad:
0x0: {  	(pc) =	sbr.rel $0x88, $3  }
0x1: {  	(tag) =	ssettag $0x0;
	lr =	simm.s32 $0x1  }
0x2: {  	[smem:$0x3F9D] =	sst lr;
	_ =	strace $0xD0000000  }
0x3: {  	_ = 	snop  }
0x4: {  	_ = 	snop  }
0x5: {  	_ = 	snop  }
0x6: {  	_ = 	snop  }
0x7: {  	_ = 	snop  }
__scs_overlays_trampoline_lowered:
0x8: {  	[smem:$0x3FAC] =	sst s0  }
0x9: {  	[smem:$0x3FAD] =	sst s1  }
0xa: {  	[smem:$0x3FAE] =	sst s2  }
0xb: {  	[smem:$0x3FAF] =	sst s3  }
0xc: {  	[smem:$0x3FB0] =	sst s4  }
0xd: {  	[smem:$0x3FB1] =	sst s5  }
0xe: {  	[smem:$0x3FB2] =	sst s6  }
0xf: {  	[smem:$0x3FB3] =	sst s7  }
0x10: {  	[smem:$0x3FB4] =	sst s8  }
0x11: {  	[smem:$0x3FB5] =	sst s9;
	s0 =	simm.s32 @!p0 $0x0  }
0x12: {  	s1 =	sld [smem:$0x3F9B];
	s0 =	simm.s32 @p0 $0x1  }
0x13: {  	[smem:$0x3FB6] =	sst s0;
	s0 =	simm.s32 @!p1 $0x0  }
0x14: {  	s2 =	sld [smem:$0x3F9A];
	s0 =	simm.s32 @p1 $0x1  }
0x15: {  	[smem:$0x3FB7] =	sst s0;
	s0 =	simm.s32 @!p2 $0x0  }
0x16: {  	s3 =	sld [smem:$0x3FDB];
	s0 =	simm.s32 @p2 $0x1  }
0x17: {  	s4 =	simm.s32 $0x1BF5;
	[smem:$0x3FB9] =	sst s0  }
0x18: {  	s0 =	sld [smem:$0x3F9C];
	_ =	swait.ge [sflag:s4], $0x0  }
0x19: {  	s7 =	sld [smem:$0x3F9D]  }
0x1a: {  	s8 =	sadd.s32 $0xFFFFE003, lr  }
0x1b: {  	s9 =	sadd.s32 $0xFFFFFEF7, lr;
	s5 =	simm.s32 $0xFFFFFFFF;
	p2 =	slt.u32 s8, $0xFFFFF086  }
0x1c: {  	p1 =	slt.u32 s9, $0xF7A;
	s5 =	simm.s32 @!p2 $0x0  }
0x1d: {  	s5 =	simm.s32 @p1 $0x1;
	p0 =	seq.s32 s7, s2  }
0x1e: {  	s7 =	smul.u32 @!p0 $0xF7A, s2;
	p2 =	seq.s32 @!p0 s5, $0x0  }
0x1f: {  	s9 =	smul.u32 $0xF7A, s1;
	s8 =	simm.s32 @!p0 $0x1BF5;
	p2 =	por !p2, p0  }
0x20: {  	[sflag:s8] =	ssyncset.s32 @!p0 $0xFFFFF086;
	s6 =	sadd.s32 @!p0 s3, s7;
	s7 =	simm.s32 @!p0 $0x108  }
0x21: {  	s3 =	sadd.s32 s3, s9;
	s6 =	sadd.s32 @!p0 $0x88, s6;
	s7 =	simm.s32 @p2 $0x1082  }
0x22: {  	[simem:s7], [sflag:s8] =	dma.local @!p0 [hbm:s6], $0xF7A  }
0x23: {  	s9 =	sor.u32 $0xD0000000, s2;
	s6 =	simm.s32 $0x108;
	_ =	swait.ge @!p0 [sflag:s8], $0x0  }
0x24: {  	s3 =	sadd.s32 $0x88, s3;
	s6 =	simm.s32 @!p1 $0x1082;
	[sflag:s4] =	ssyncset.s32 $0xFFFFF086  }
0x25: {  	[simem:s6], [sflag:s4] =	dma.local [hbm:s3], $0xF7A  }
0x26: {  	[smem:$0x3F9D] =	sst s1;
	(tag) =	ssettag s2;
	_ =	strace s9  }
0x27: {  	s1 =	sld [smem:$0x3FAD]  }
0x28: {  	s2 =	sld [smem:$0x3FAE]  }
0x29: {  	s4 =	sld [smem:$0x3FB0]  }
0x2a: {  	p0 =	seq.s32 s5, $0x0;
	s5 =	sld [smem:$0x3FB1]  }
0x2b: {  	s6 =	sld [smem:$0x3FB2]  }
0x2c: {  	s7 =	sld [smem:$0x3FB3]  }
0x2d: {  	s3 =	simm.s32 $0x108;
	s8 =	sld [smem:$0x3FB4]  }
0x2e: {  	s3 =	simm.s32 @!p0 $0x1082;
	s9 =	sld [smem:$0x3FB5]  }
0x2f: {  	lr =	sadd.s32 s0, s3;
	s0 =	sld [smem:$0x3FAC]  }
0x30: {  	s3 =	sld [smem:$0x3FAF]  }
0x31: {  	[smem:$0x3FB8] =	sst s10  }
0x32: {  	s10 =	sld [smem:$0x3FB6];
	_ =	sdelay $0x3  }
0x33: {  	p0 =	seq.s32 s10, $0x1;
	s10 =	sld [smem:$0x3FB8];
	_ =	sdelay $0x3  }
0x34: {  	[smem:$0x3FB8] =	sst s10  }
0x35: {  	s10 =	sld [smem:$0x3FB7];
	_ =	sdelay $0x3  }
0x36: {  	p1 =	seq.s32 s10, $0x1;
	s10 =	sld [smem:$0x3FB8];
	_ =	sdelay $0x3  }
0x37: {  	[smem:$0x3FB8] =	sst s10  }
0x38: {  	s10 =	sld [smem:$0x3FB9]  }
0x39: {  	_ = 	snop;
	(pc) =	sbr.ind lr, $3  }
0x3a: {  	_ = 	snop  }
0x3b: {  	_ = 	snop  }
0x3c: {  	p2 =	seq.s32 s10, $0x1;
	s10 =	sld [smem:$0x3FB8]  }
0x3d: {  	_ =	shalt  }
0x3e: {  	_ =	shalt  }
0x3f: {  	_ =	shalt  }
0x40: {  	_ =	shalt  }
0x41: {  	_ =	shalt  }
0x42: {  	_ =	shalt  }
0x43: {  	_ =	shalt  }
0x44: {  	_ =	shalt  }
0x45: {  	_ =	shalt  }
0x46: {  	_ =	shalt  }
0x47: {  	_ =	shalt  }
0x48: {  	_ =	shalt  }
0x49: {  	_ =	shalt  }
0x4a: {  	_ =	shalt  }
0x4b: {  	_ =	shalt  }
0x4c: {  	_ =	shalt  }
0x4d: {  	_ =	shalt  }
0x4e: {  	_ =	shalt  }
0x4f: {  	_ =	shalt  }
0x50: {  	_ =	shalt  }
0x51: {  	_ =	shalt  }
0x52: {  	_ =	shalt  }
0x53: {  	_ =	shalt  }
0x54: {  	_ =	shalt  }
0x55: {  	_ =	shalt  }
0x56: {  	_ =	shalt  }
0x57: {  	_ =	shalt  }
0x58: {  	_ =	shalt  }
0x59: {  	_ =	shalt  }
0x5a: {  	_ =	shalt  }
0x5b: {  	_ =	shalt  }
0x5c: {  	_ =	shalt  }
0x5d: {  	_ =	shalt  }
0x5e: {  	_ =	shalt  }
0x5f: {  	_ =	shalt  }
0x60: {  	_ =	shalt  }
0x61: {  	_ =	shalt  }
0x62: {  	_ =	shalt  }
0x63: {  	_ =	shalt  }
0x64: {  	_ =	shalt  }
0x65: {  	_ =	shalt  }
0x66: {  	_ =	shalt  }
0x67: {  	_ =	shalt  }
0x68: {  	_ =	shalt  }
0x69: {  	_ =	shalt  }
0x6a: {  	_ =	shalt  }
0x6b: {  	_ =	shalt  }
0x6c: {  	_ =	shalt  }
0x6d: {  	_ =	shalt  }
0x6e: {  	_ =	shalt  }
0x6f: {  	_ =	shalt  }
0x70: {  	_ =	shalt  }
0x71: {  	_ =	shalt  }
0x72: {  	_ =	shalt  }
0x73: {  	_ =	shalt  }
0x74: {  	_ =	shalt  }
0x75: {  	_ =	shalt  }
0x76: {  	_ =	shalt  }
0x77: {  	_ =	shalt  }
0x78: {  	_ =	shalt  }
0x79: {  	_ =	shalt  }
0x7a: {  	_ =	shalt  }
0x7b: {  	_ =	shalt  }
0x7c: {  	_ =	shalt  }
0x7d: {  	_ =	shalt  }
0x7e: {  	_ =	shalt  }
0x7f: {  	_ =	shalt  }
0x80: {  	_ =	shalt  }
0x81: {  	_ =	shalt  }
0x82: {  	_ =	shalt  }
0x83: {  	_ =	shalt  }
0x84: {  	_ =	shalt  }
0x85: {  	_ =	shalt  }
0x86: {  	_ =	shalt  }
0x87: {  	_ =	shalt  }
.Lfunc_end0:
.L_simem_size_0:
called_computation_lowered:
.L_overlay_start_0:
0x88: {  	s2 =	sld [smem:$0x3FD9]  }
0x89: {  	s3 =	sld [smem:$0x3FFE];
	_ =	sdelay $0x1  }
0x8a: {  	s1 =	srdreg.scid  }
0x8b: {  	s0 =	sand.u32 $0x1, s1  }
0x8c: {  	s17 =	sshll.u32 s0, $0xA;
	s2 =	sadd.s32 s3, s2  }
0x8d: {  	s2 =	sadd.s32 s2, s17  }
0x8e: {  	[smem:$0x3FC4] =	sst s2  }
0x8f: {  	_ = 	snop  }
0x90: {  	s2 =	sld [smem:$0x3FC8]  }
0x91: {  	s18 =	sld [smem:$0x3FD0];
	(tm) =	ssettm $0x1  }
0x92: {  	s4 =	sld [smem:$0x3FFB];
	_ =	sdelay $0x3  }
0x93: {  	_ =	strace s4  }
0x94: {  	s4 =	sld [smem:$0x3FFC];
	_ =	sdelay $0x3  }
0x95: {  	_ =	strace s4  }
0x96: {  	s4 =	sld [smem:$0x3FFD];
	_ =	sdelay $0x3  }
0x97: {  	_ =	strace s4  }
0x98: {  	_ =	strace $0x8FFFFFFF  }
0x99: {  	s19 =	sld [smem:$0x3FDB];
	_ =	sdelay $0x1  }
0x9a: {  	s5 =	simm.s32 $_scs_section_size  }
0x9b: {  	s6 =	simm.s32 $_size__tile_overlayer_lowered;
	s7 =	simm.s32 $_tile_overlayer_lowered  }
0x9c: {  	s22 =	simm.s32 $0x1BFF;
	s21 =	sshll.u32 s7, $0x1;
	s4 =	sadd.s32 s5, s19  }
0x9d: {  	s8 =	simm.s32 $0x0;
	s20 =	sshll.u32 s6, $0x1;
	s6 =	sadd.s32 s21, s4  }
0x9e: {  	[timem:s8], [sflag:s22] =	dma.local [hbm:s6], s20  }
0x9f: {  	_ =	swait.ge [sflag:s22], s20  }
0xa0: {  	s5 =	ssub.s32 $0x0, s20;
	[sflag:s22] =	ssyncset.done $0x0  }
0xa1: {  	[sflag:s22] =	ssyncadd.s32 s5;
	_ =	sdelay $0x1  }
0xa2: {  	s23 =	simm.s32 $0x1B8B  }
0xa3: {  	_ =	swait.ge [sflag:s23], $0x1  }
0xa4: {  	[sflag:s23] =	ssyncset.done $0x0  }
0xa5: {  	s25 =	simm.s32 $0x1B8E;
	s24 =	sld [smem:$0x3FFE];
	[sflag:s23] =	ssyncadd.s32 $0xFFFFFFFF  }
0xa6: {  	s26 =	simm.s32 $execute0_lowered;
	[smem:$0x3FD2] =	sst s25  }
0xa7: {  	s6 =	sshll.u32 s26, $0x1;
	_ =	strace $0x80000046;
	[dreg:$0x1] =	wrdreg $0xFFFFFFFF  }
0xa8: {  	s28 =	simm.s32 $_size_execute0_lowered;
	s4 =	sadd.s32 s4, s6;
	[dreg:$0x0] =	wrdreg $0x0  }
0xa9: {  	s6 =	sshll.u32 s28, $0x1;
	[dreg:$0x2] =	wrdreg s4  }
0xaa: {  	[dreg:$0x3] =	wrdreg s6  }
0xab: {  	[dreg:$0x4] =	wrdreg $0xC0  }
0xac: {  	_ =	task [dreg:s8], $0x5FFFF  }
0xad: {  	[dreg:$0x1] =	wrdreg $0xFFFFFFFF  }
0xae: {  	[dreg:$0x0] =	wrdreg $0x60  }
0xaf: {  	[dreg:$0x2] =	wrdreg s18  }
0xb0: {  	[dreg:$0x3] =	wrdreg s2  }
0xb1: {  	[dreg:$0x4] =	wrdreg s24  }
0xb2: {  	[dreg:$0x5] =	wrdreg $0x9  }
0xb3: {  	_ =	task.clear_ibuf [dreg:s8], $0x6FFFF;
	_ =	strace $0x90000046  }
0xb4: {  	s29 =	simm.s32 $0x9;
	_ =	strace $0x80000048  }
0xb5: {  	_ =	swait.ge [sflag:s29], $0x1  }
0xb6: {  	[sflag:s29] =	ssyncadd.s32 $0xFFFFFFFF  }
0xb7: {  	_ =	strace $0x90000048  }
0xb8: {  	_ =	sfence  }
0xb9: {  	s30 =	sld [smem:$0x0];
	_ =	sdelay $0x2  }
0xba: {  	s31 =	sshll.u32 s1, $0xD;
	s1 =	sshrl.u32 s1, $0x2  }
0xbb: {  	s3 =	sand.u32 $0x4000, s31;
	s1 =	sadd.s32 s1, s30  }
0xbc: {  	s0 =	sor.u32 s3, s0;
	s1 =	sshll.u32 s1, $0x11  }
0xbd: {  	s0 =	sor.u32 s1, s0  }
0xbe: {  	s0 =	sadd.s32 $0x8F2B, s0  }
0xbf: {  	[sflag:s0] =	ssyncadd.remote.s32 $0x1  }
0xc0: {  	_ =	sfence.sel $0xFFFF  }
0xc1: {  	[dreg:$0x0] =	wrdreg $0xFFFFFFFF;
	(pc) =	sbr.abs _section_cstart, $3  }
0xc2: {  	[dreg:$0x1] =	wrdreg $0xFFFFFFFF  }
0xc3: {  	_ =	task.clear_ibuf [dreg:s8], $0x2FFFF;
	_ =	strace $0x9FFFFFFF  }
0xc4: {  	(tm) =	ssettm $0x7FFFFFFF  }
0xc5: {  	_ =	shalt  }
tec
execute0_lowered:
.L_overlay_start_1:
0x0: {  	(tag) =	ssettag $0x1  }
0x1: {  	s2 =	stileid.u32  }
0x2: {  	p0 =	sgt.u32 s2, $0x3  }
.Ltmp0:
0x3: {  	s1 =	rddreg [dreg:$0x0];
	(pc) =	sbr.rel @p0 .LBB2_5-.Ltmp0, $4  }
0x4: {  	s5 =	rddreg [dreg:$0x1]  }
0x5: {  	s6 =	rddreg [dreg:$0x2];
	s3 =	simm.s32 $0x0  }
0x6: {  	[smem:$0x7FF] =	sst s3  }
0x7: {  	s0 =	rddreg [dreg:$0x3];
	_ =	strace $0x80000047  }
0x8: {  	s4 =	srdreg.scid;
	s8 =	sshll.u32 s2, $0x1;
	s10 =	simm.s32 $0x480  }
0x9: {  	s11 =	simm.s32 $0x2480;
	s12 =	simm.s32 $0x0;
	s7 =	sand.u32 $0x1, s4  }
0xa: {  	s4 =	sadd.s32 $0xA00, s6;
	s8 =	sor.u32 s7, s8;
	s7 =	ssub.s32 $0x2, s7  }
0xb: {  	v0 =	vlaneseq.u32;
	s31 =	sadd.s32 s8, s6;
	s8 =	sshll.u32 s8, $0xA;
	s9 =	sshrl.u32 s7, $0x1  }
0xc: {  	v1 =	vand.u32 $0x7, v0;
	s5 =	sadd.s32 s5, s8;
	s6 =	sadd.s32 $0xC00, s31;
	s7 =	ssub.s32 s7, s9  }
0xd: {  	v0 =	vimm.s32 $0x0;
	v1 =	vmul.u32 $0x80, v1;
	s8 =	simm.s32 $0x1;
	s9 =	simm.s32 $0x400;
	s7 =	smax.u32 s7, $0x1  }
.LBB2_2:
0xe: {  	s13 =	simm.s32 $0x0  }
0xf: {  	[tilespmem:s13], [sflag:$0x1] =	stream.linear.gather [hbm4b:s1+s13], $0x400, $0x38;
	[tilespmem:$0x2500] =	vst v63  }
0x10: {  	_ =	swait.ge [sflag:s8], $0x400  }
0x11: {  	[sflag:s8] =	ssyncset.done $0x0  }
0x12: {  	[sflag:s8] =	ssyncadd.s32 $0xFFFFFC00  }
0x13: {  	[tilespmem:s9], [sflag:$0x1] =	stream.linear.gather [hbm4b:s4+s13], $0x80, $0x38;
	[tilespmem:$0x2500] =	vst v63  }
0x14: {  	_ =	swait.ge [sflag:s8], $0x80  }
0x15: {  	[sflag:s8] =	ssyncset.done $0x0  }
0x16: {  	[sflag:s8] =	ssyncadd.s32 $0xFFFFFF80  }
0x17: {  	[tilespmem:s10], [sflag:$0x1] =	stream.linear.gather [hbm4b:s5+s13], $0x2000, $0x38;
	[tilespmem:$0x2500] =	vst v63  }
0x18: {  	_ =	swait.ge [sflag:s8], $0x2000  }
0x19: {  	[sflag:s8] =	ssyncset.done $0x0  }
0x1a: {  	[sflag:s8] =	ssyncadd.s32 $0xFFFFE000  }
0x1b: {  	s14 =	simm.s32 $0x0;
	v2 =	vld [tilespmem:$0x400]  }
0x1c: {  	v4 =	vld [tilespmem:s14+$0x0]  }
0x1d: {  	v3 =	vimm.s32 $0x0;
	s13 =	simm.s32 $0x40  }
.LBB2_3:
0x1e: {  	p0 =	sne.s32 s13, $0xFC0  }
.Ltmp1:
0x1f: {  	_ = 	snop;
	(pc) =	sbr.rel @p0 .LBB2_3-.Ltmp1, $4  }
0x20: {  	_ = 	snop  }
0x21: {  	s14 =	sshra.s32 s13, $0x2;
	s13 =	sadd.s32 $0x40, s13;
	vm0 =	vle.f32 v4, v2  }
0x22: {  	v4 =	vld [tilespmem:s14+$0x0];
	v5 =	vsel vm0, $0x1, v0  }
0x23: {  	v3 =	vadd.s32 v5, v3  }
0x24: {  	_ =	sdelay $0x2  }
0x25: {  	vm0 =	vle.f32 v4, v2  }
0x26: {  	v2 =	vsel vm0, $0x1, v0  }
0x27: {  	v2 =	vadd.s32 v2, v3  }
0x28: {  	(xrf0) =	vadd.scan.msk.s32 $0xffff, v2;
	_ =	sdelay $0x5  }
0x29: {  	v2, _, _ =	vpop (xrf0)  }
0x2a: {  	(v2sf) =	vpush v2, $0xF;
	_ =	sdelay $0xe  }
0x2b: {  	s13 =	spop (v2sf)  }
0x2c: {  	s13 =	sadd.s32 $0xFFFFFFFF, s13  }
0x2d: {  	p0 =	sgt.s32 s13, $0x0  }
0x2e: {  	s13 =	simm.s32 @!p0 $0x0  }
0x2f: {  	s13 =	smin.u32 s13, $0x3E7  }
0x30: {  	v2 =	vmov s13  }
0x31: {  	v3 =	vshll.u32 v2, $0x3  }
0x32: {  	v2 =	vand.u32 $0x7F, v2;
	v3 =	vand.u32 $0x1C00, v3  }
0x33: {  	v2 =	vor.u32 v3, v2  }
0x34: {  	v2 =	vor.u32 v1, v2;
	_ =	sdelay $0x4  }
0x35: {  	v2 =	vld.idx.msk [tilespmem:v2+s10+$0x0], $0xffff;
	_ =	sdelay $0x2  }
0x36: {  	s12 =	sadd.s32 $0x1, s12  }
0x37: {  	p0 =	sne.s32 s12, s7  }
.Ltmp2:
0x38: {  	[tilespmem:$0x2480] =	vst v2;
	(pc) =	sbr.rel @p0 .LBB2_2-.Ltmp2, $4  }
0x39: {  	[hbm4b:s6+s3] =	stream.linear.scatter [tilespmem:s11], [sflag:$0x1], $0x8, $0x38;
	[tilespmem:$0x2500] =	vst v63  }
0x3a: {  	_ =	swait.ge [sflag:s8], $0x8  }
0x3b: {  	[sflag:s8] =	ssyncset.done $0x0  }
0x3c: {  	[sflag:s8] =	ssyncadd.s32 $0xFFFFFFF8  }
.LBB2_5:
0x3d: {  	_ =	sfence.sel $0x180000  }
0x3e: {  	[bflag:$0x0] =	sbarrier.arrive $0xFFFF  }
0x3f: {  	p0 =	sne.s32 s2, $0x0;
	_ =	strace $0x90000047  }
0x40: {  	s0 =	sadd.s32 @!p0 $0x100000, s0;
	[bflag:$0x2] =	sbarrier.arrive $0xFFFF  }
0x41: {  	[sflag:s0] =	ssyncadd.tile.s32 @!p0 $0x1;
	_ =	shalt  }
.Lfunc_end2:
_tile_overlayer_lowered:
.L_overlay_start_2:
0x42: {  	(tag) =	ssettag $0x2  }
0x43: {  	s0 =	rddreg [dreg:$0x0];
	s2 =	stileid.u32  }
0x44: {  	s1 =	rddreg [dreg:$0x1];
	p0 =	sne.s32 s2, $0x0  }
0x45: {  	s3 =	rddreg [dreg:$0x2];
	[bflag:$0x3] =	sbarrier.arrive $0xFFFF;
	s2 =	simm.s32 @!p0 $0x1C01  }
0x46: {  	[timem:s3], [sflag:s2] =	dma.local @!p0 [hbm:s0], s1  }
0x47: {  	s0 =	simm.s32 @!p0 $0x1  }
0x48: {  	_ =	swait.ge @!p0 [sflag:s0], s1  }
0x49: {  	s1 =	ssub.s32 @!p0 $0x0, s1;
	[sflag:s0] =	ssyncset.done @!p0 $0x0  }
0x4a: {  	[sflag:s0] =	ssyncadd.s32 @!p0 s1  }
0x4b: {  	[bflag:$0x3] =	sbarrier.arrive $0xFFFF  }
0x4c: {  	_ =	shalt  }

</sc_bundles>
